<compile_context>
chip_gen: v7x
topology: tpu7x:2x2x1
jax: 0.10.2.dev20260603
libtpu: 0.0.44.dev20260713+nightly
codegen_flags: <defaults>
</compile_context>

<pallas_src>
import functools
import jax
import jax.numpy as jnp
from jax import lax
from jax.experimental import pallas as pl
from jax.experimental.pallas import tpu as pltpu
from jax.experimental.pallas import tpu_sc as plsc

HIDDEN = 1024
NC, NS = 2, 16
NW = NC * NS
CHUNK_ROWS = 16
CHUNK = CHUNK_ROWS * HIDDEN
UNROLL = 16


def kernel(x, table):
    b, n, h = x.shape
    rows = b * n
    ppw = n // NW
    npc = ppw // CHUNK_ROWS
    nstep = npc * b

    x2 = x.reshape(rows, h)

    mesh = plsc.VectorSubcoreMesh(
        core_axis_name="c", subcore_axis_name="s",
        num_cores=NC, num_subcores=NS)

    @functools.partial(
        pl.kernel,
        out_type=jax.ShapeDtypeStruct((rows, h), jnp.float32),
        mesh=mesh,
        scratch_types=[
            pltpu.VMEM((2, CHUNK_ROWS, h), jnp.float32),
            pltpu.VMEM((2, CHUNK_ROWS, h), jnp.float32),
            pltpu.VMEM((2, CHUNK_ROWS, h), jnp.float32),
            pltpu.SemaphoreType.DMA((2,)),
            pltpu.SemaphoreType.DMA((2,)),
            pltpu.SemaphoreType.DMA((2,)),
        ],
        compiler_params=pltpu.CompilerParams(use_tc_tiling_on_sc=True),
    )
    def sc_add(x_hbm, t_hbm, o_hbm, xv, tv, ov, semx, semt, semo):
        wid = lax.axis_index("s") * NC + lax.axis_index("c")
        pbase = wid * ppw

        def xrow(m):
            pc = lax.shift_right_logical(m, 2)
            be = lax.bitwise_and(m, b - 1)
            return be * n + pbase + pc * CHUNK_ROWS

        def start_x(m, buf):
            pltpu.async_copy(
                x_hbm.at[pl.ds(xrow(m), CHUNK_ROWS)], xv.at[buf],
                semx.at[buf])

        def wait_x(m, buf):
            pltpu.make_async_copy(
                x_hbm.at[pl.ds(xrow(m), CHUNK_ROWS)], xv.at[buf],
                semx.at[buf]).wait()

        def start_t(pc, tbuf):
            pltpu.async_copy(
                t_hbm.at[pl.ds(pbase + pc * CHUNK_ROWS, CHUNK_ROWS)],
                tv.at[tbuf], semt.at[tbuf])

        def wait_t(pc, tbuf):
            pltpu.make_async_copy(
                t_hbm.at[pl.ds(pbase + pc * CHUNK_ROWS, CHUNK_ROWS)],
                tv.at[tbuf], semt.at[tbuf]).wait()

        def start_out(m, buf):
            pltpu.async_copy(
                ov.at[buf], o_hbm.at[pl.ds(xrow(m), CHUNK_ROWS)],
                semo.at[buf])

        def wait_out(m, buf):
            pltpu.make_async_copy(
                ov.at[buf], o_hbm.at[pl.ds(xrow(m), CHUNK_ROWS)],
                semo.at[buf]).wait()

        start_x(0, 0)
        start_x(1, 1)
        start_t(0, 0)

        def body(m, carry):
            buf = lax.rem(m, 2)
            pc = lax.shift_right_logical(m, 2)
            be = lax.bitwise_and(m, b - 1)
            tbuf = lax.rem(pc, 2)

            wait_x(m, buf)

            @pl.when(be == 0)
            def _():
                wait_t(pc, tbuf)

                @pl.when(pc + 1 < npc)
                def _():
                    start_t(pc + 1, lax.rem(pc + 1, 2))

            @pl.when(m >= 2)
            def _():
                wait_out(m - 2, buf)

            @plsc.parallel_loop(0, CHUNK, step=16, unroll=UNROLL)
            def _add(g):
                r = lax.shift_right_logical(g, 10)
                cc = pl.multiple_of(lax.bitwise_and(g, h - 1), 16)
                ov[buf, r, pl.ds(cc, 16)] = (
                    xv[buf, r, pl.ds(cc, 16)] + tv[tbuf, r, pl.ds(cc, 16)])

            start_out(m, buf)

            @pl.when(m + 2 < nstep)
            def _():
                start_x(m + 2, buf)

            return carry

        lax.fori_loop(0, nstep, body, 0)
        wait_out(nstep - 2, lax.rem(nstep - 2, 2))
        wait_out(nstep - 1, lax.rem(nstep - 1, 2))

    out = sc_add(x2, table)
    return out.reshape(b, n, h)

# --- scband reference (transcript-rebuilt; emitter-appended) ---
"""Pipeline reference for scband-position-embedding-15375982920062 (READ-ONLY COPY).

The authoritative reference and input builder live on the scoring server;
editing this copy changes nothing except your own understanding.
"""

import jax, jax.numpy as jnp
import numpy as np

HIDDEN_DIM = 1024
MAX_LEN = 8192
B, N = 4, 4096

def setup_inputs(seed: int = 0) -> dict:
    key = jax.random.key(seed)
    k_x, k_tab = jax.random.split(key)
    x = jax.random.normal(k_x, (B, N, HIDDEN_DIM), dtype=jnp.float32)
    # nn.Embedding default init: N(0, 1)
    table = jax.random.normal(k_tab, (MAX_LEN, HIDDEN_DIM), dtype=jnp.float32)
    return {"x": x, "table": table}

def reference(x, table):
    b, n, _ = x.shape
    if n >= table.shape[0]:
        raise ValueError(f"Sequence length {n} exceeds max_len {table.shape[0]}")
    pos = jnp.arange(n)
    pos = jnp.broadcast_to(pos[None, :], (b, n))
    pos_emb = jnp.take(table, pos, axis=0)  # [b, n, hidden_dim]
    return x + pos_emb

if __name__ == "__main__":
    import jax
    _d = setup_inputs()
    print(jax.jit(kernel)(*tuple(_d.values())))

</pallas_src>

<mosaic_0001>
#map = affine_map<(d0, d1) -> (0, 0)>
module attributes {stable_mosaic.version = 14 : i64} {
  func.func @sc_add(%arg0: i32, %arg1: i32, %arg2: memref<16384x1024xf32, #tpu.memory_space<hbm>>, %arg3: memref<8192x1024xf32, #tpu.memory_space<hbm>>, %arg4: memref<16384x1024xf32, #tpu.memory_space<hbm>>, %arg5: memref<2x16x1024xf32, #tpu.memory_space<vmem>>, %arg6: memref<2x16x1024xf32, #tpu.memory_space<vmem>>, %arg7: memref<2x16x1024xf32, #tpu.memory_space<vmem>>, %arg8: memref<2x!tpu.dma_semaphore, #tpu.memory_space<semaphore_mem>>, %arg9: memref<2x!tpu.dma_semaphore, #tpu.memory_space<semaphore_mem>>, %arg10: memref<2x!tpu.dma_semaphore, #tpu.memory_space<semaphore_mem>>) attributes {dimension_semantics = [#tpu.dimension_semantics<core_parallel>, #tpu.dimension_semantics<subcore_parallel>], iteration_bounds = array<i64: 2, 16>, scalar_prefetch = 0 : i64, scratch_operands = 6 : i64, tpu.core_type = #tpu.core_type<sc_vector_subcore>, window_params = [{transform_indices = #map}, {transform_indices = #map}, {transform_indices = #map}]} {
    %mul3A = arith.constant 2 : i32
    %mul3A_0 = arith.muli %arg1, %mul3A : i32
    %add3A = arith.addi %mul3A_0, %arg0 : i32
    %mul3A_1 = arith.constant 128 : i32
    %mul3A_2 = arith.muli %add3A, %mul3A_1 : i32
    %shift_right_logical3A = arith.constant 0 : i32
    %shift_right_logical3A_3 = arith.constant 2 : i32
    %shift_right_logical3A_4 = arith.shrui %shift_right_logical3A, %shift_right_logical3A_3 : i32
    %and3A = arith.constant 0 : i32
    %and3A_5 = arith.constant 3 : i32
    %and3A_6 = arith.andi %and3A, %and3A_5 : i32
    %mul3A_7 = arith.constant 4096 : i32
    %mul3A_8 = arith.muli %and3A_6, %mul3A_7 : i32
    %add3A_9 = arith.addi %mul3A_8, %mul3A_2 : i32
    %mul3A_10 = arith.constant 16 : i32
    %mul3A_11 = arith.muli %shift_right_logical3A_4, %mul3A_10 : i32
    %add3A_12 = arith.addi %add3A_9, %mul3A_11 : i32
    %dma_start3A = arith.constant 0 : i32
    %dma_start3A_13 = arith.constant 0 : i32
    %dma_start3A_14 = arith.constant 0 : i32
    %dma_start3A_15 = arith.constant 0 : i32
    %dma_start3A_16 = tpu.memref_slice %arg5[%dma_start3A, %dma_start3A_14, %dma_start3A_15] : memref<2x16x1024xf32, #tpu.memory_space<vmem>> -> memref<1x16x1024xf32, #tpu.memory_space<vmem>>
    %dma_start3A_17 = tpu.memref_squeeze %dma_start3A_16 : memref<1x16x1024xf32, #tpu.memory_space<vmem>> -> memref<16x1024xf32, #tpu.memory_space<vmem>>
    %dma_start3A_18 = arith.constant 0 : i32
    %dma_start3A_19 = tpu.memref_slice %arg2[%add3A_12, %dma_start3A_18] : memref<16384x1024xf32, #tpu.memory_space<hbm>> -> memref<16x1024xf32, #tpu.memory_space<hbm>>
    %dma_start3A_20 = tpu.memref_slice %arg8[%dma_start3A_13] : memref<2x!tpu.dma_semaphore, #tpu.memory_space<semaphore_mem>> -> memref<1x!tpu.dma_semaphore, #tpu.memory_space<semaphore_mem>>
    %dma_start3A_21 = tpu.memref_squeeze %dma_start3A_20 : memref<1x!tpu.dma_semaphore, #tpu.memory_space<semaphore_mem>> -> memref<!tpu.dma_semaphore, #tpu.memory_space<semaphore_mem>>
    %dma_start3A_22 = arith.constant 0 : i32
    %dma_start3A_23 = arith.constant 0 : i32
    %dma_start3A_24 = tpu.memref_slice %arg5[%dma_start3A, %dma_start3A_22, %dma_start3A_23] : memref<2x16x1024xf32, #tpu.memory_space<vmem>> -> memref<1x16x1024xf32, #tpu.memory_space<vmem>>
    %dma_start3A_25 = tpu.memref_squeeze %dma_start3A_24 : memref<1x16x1024xf32, #tpu.memory_space<vmem>> -> memref<16x1024xf32, #tpu.memory_space<vmem>>
    %dma_start3A_26 = arith.constant 0 : i32
    %dma_start3A_27 = tpu.memref_slice %arg2[%add3A_12, %dma_start3A_26] : memref<16384x1024xf32, #tpu.memory_space<hbm>> -> memref<16x1024xf32, #tpu.memory_space<hbm>>
    tpu.enqueue_dma source(%dma_start3A_27 : memref<16x1024xf32, #tpu.memory_space<hbm>>) target(%dma_start3A_25 : memref<16x1024xf32, #tpu.memory_space<vmem>>) target_semaphore(%dma_start3A_21 : memref<!tpu.dma_semaphore, #tpu.memory_space<semaphore_mem>>)
    %shift_right_logical3A_28 = arith.constant 1 : i32
    %shift_right_logical3A_29 = arith.constant 2 : i32
    %shift_right_logical3A_30 = arith.shrui %shift_right_logical3A_28, %shift_right_logical3A_29 : i32
    %and3A_31 = arith.constant 1 : i32
    %and3A_32 = arith.constant 3 : i32
    %and3A_33 = arith.andi %and3A_31, %and3A_32 : i32
    %mul3A_34 = arith.constant 4096 : i32
    %mul3A_35 = arith.muli %and3A_33, %mul3A_34 : i32
    %add3A_36 = arith.addi %mul3A_35, %mul3A_2 : i32
    %mul3A_37 = arith.constant 16 : i32
    %mul3A_38 = arith.muli %shift_right_logical3A_30, %mul3A_37 : i32
    %add3A_39 = arith.addi %add3A_36, %mul3A_38 : i32
    %dma_start3A_40 = arith.constant 1 : i32
    %dma_start3A_41 = arith.constant 1 : i32
    %dma_start3A_42 = arith.constant 0 : i32
    %dma_start3A_43 = arith.constant 0 : i32
    %dma_start3A_44 = tpu.memref_slice %arg5[%dma_start3A_40, %dma_start3A_42, %dma_start3A_43] : memref<2x16x1024xf32, #tpu.memory_space<vmem>> -> memref<1x16x1024xf32, #tpu.memory_space<vmem>>
    %dma_start3A_45 = tpu.memref_squeeze %dma_start3A_44 : memref<1x16x1024xf32, #tpu.memory_space<vmem>> -> memref<16x1024xf32, #tpu.memory_space<vmem>>
    %dma_start3A_46 = arith.constant 0 : i32
    %dma_start3A_47 = tpu.memref_slice %arg2[%add3A_39, %dma_start3A_46] : memref<16384x1024xf32, #tpu.memory_space<hbm>> -> memref<16x1024xf32, #tpu.memory_space<hbm>>
    %dma_start3A_48 = tpu.memref_slice %arg8[%dma_start3A_41] : memref<2x!tpu.dma_semaphore, #tpu.memory_space<semaphore_mem>> -> memref<1x!tpu.dma_semaphore, #tpu.memory_space<semaphore_mem>>
    %dma_start3A_49 = tpu.memref_squeeze %dma_start3A_48 : memref<1x!tpu.dma_semaphore, #tpu.memory_space<semaphore_mem>> -> memref<!tpu.dma_semaphore, #tpu.memory_space<semaphore_mem>>
    %dma_start3A_50 = arith.constant 0 : i32
    %dma_start3A_51 = arith.constant 0 : i32
    %dma_start3A_52 = tpu.memref_slice %arg5[%dma_start3A_40, %dma_start3A_50, %dma_start3A_51] : memref<2x16x1024xf32, #tpu.memory_space<vmem>> -> memref<1x16x1024xf32, #tpu.memory_space<vmem>>
    %dma_start3A_53 = tpu.memref_squeeze %dma_start3A_52 : memref<1x16x1024xf32, #tpu.memory_space<vmem>> -> memref<16x1024xf32, #tpu.memory_space<vmem>>
    %dma_start3A_54 = arith.constant 0 : i32
    %dma_start3A_55 = tpu.memref_slice %arg2[%add3A_39, %dma_start3A_54] : memref<16384x1024xf32, #tpu.memory_space<hbm>> -> memref<16x1024xf32, #tpu.memory_space<hbm>>
    tpu.enqueue_dma source(%dma_start3A_55 : memref<16x1024xf32, #tpu.memory_space<hbm>>) target(%dma_start3A_53 : memref<16x1024xf32, #tpu.memory_space<vmem>>) target_semaphore(%dma_start3A_49 : memref<!tpu.dma_semaphore, #tpu.memory_space<semaphore_mem>>)
    %add3A_56 = arith.constant 0 : i32
    %add3A_57 = arith.addi %mul3A_2, %add3A_56 : i32
    %dma_start3A_58 = arith.constant 0 : i32
    %dma_start3A_59 = arith.constant 0 : i32
    %dma_start3A_60 = arith.constant 0 : i32
    %dma_start3A_61 = arith.constant 0 : i32
    %dma_start3A_62 = tpu.memref_slice %arg6[%dma_start3A_58, %dma_start3A_60, %dma_start3A_61] : memref<2x16x1024xf32, #tpu.memory_space<vmem>> -> memref<1x16x1024xf32, #tpu.memory_space<vmem>>
    %dma_start3A_63 = tpu.memref_squeeze %dma_start3A_62 : memref<1x16x1024xf32, #tpu.memory_space<vmem>> -> memref<16x1024xf32, #tpu.memory_space<vmem>>
    %dma_start3A_64 = arith.constant 0 : i32
    %dma_start3A_65 = tpu.memref_slice %arg3[%add3A_57, %dma_start3A_64] : memref<8192x1024xf32, #tpu.memory_space<hbm>> -> memref<16x1024xf32, #tpu.memory_space<hbm>>
    %dma_start3A_66 = tpu.memref_slice %arg9[%dma_start3A_59] : memref<2x!tpu.dma_semaphore, #tpu.memory_space<semaphore_mem>> -> memref<1x!tpu.dma_semaphore, #tpu.memory_space<semaphore_mem>>
    %dma_start3A_67 = tpu.memref_squeeze %dma_start3A_66 : memref<1x!tpu.dma_semaphore, #tpu.memory_space<semaphore_mem>> -> memref<!tpu.dma_semaphore, #tpu.memory_space<semaphore_mem>>
    %dma_start3A_68 = arith.constant 0 : i32
    %dma_start3A_69 = arith.constant 0 : i32
    %dma_start3A_70 = tpu.memref_slice %arg6[%dma_start3A_58, %dma_start3A_68, %dma_start3A_69] : memref<2x16x1024xf32, #tpu.memory_space<vmem>> -> memref<1x16x1024xf32, #tpu.memory_space<vmem>>
    %dma_start3A_71 = tpu.memref_squeeze %dma_start3A_70 : memref<1x16x1024xf32, #tpu.memory_space<vmem>> -> memref<16x1024xf32, #tpu.memory_space<vmem>>
    %dma_start3A_72 = arith.constant 0 : i32
    %dma_start3A_73 = tpu.memref_slice %arg3[%add3A_57, %dma_start3A_72] : memref<8192x1024xf32, #tpu.memory_space<hbm>> -> memref<16x1024xf32, #tpu.memory_space<hbm>>
    tpu.enqueue_dma source(%dma_start3A_73 : memref<16x1024xf32, #tpu.memory_space<hbm>>) target(%dma_start3A_71 : memref<16x1024xf32, #tpu.memory_space<vmem>>) target_semaphore(%dma_start3A_67 : memref<!tpu.dma_semaphore, #tpu.memory_space<semaphore_mem>>)
    %scan3A = arith.constant 0 : i32
    %scan3A_74 = arith.constant 0 : i32
    %scan3A_75 = arith.constant 32 : i32
    %scan3A_76 = arith.addi %scan3A_74, %scan3A_75 : i32
    %scan3A_77 = arith.constant 1 : i32
    scf.for %scan3A_135 = %scan3A_74 to %scan3A_76 step %scan3A_77  : i32 {
      %rem3A_136 = arith.constant 2 : i32
      %rem3A_137 = arith.remsi %scan3A_135, %rem3A_136 : i32
      %shift_right_logical3A_138 = arith.constant 2 : i32
      %shift_right_logical3A_139 = arith.shrui %scan3A_135, %shift_right_logical3A_138 : i32
      %and3A_140 = arith.constant 3 : i32
      %and3A_141 = arith.andi %scan3A_135, %and3A_140 : i32
      %rem3A_142 = arith.constant 2 : i32
      %rem3A_143 = arith.remsi %shift_right_logical3A_139, %rem3A_142 : i32
      %shift_right_logical3A_144 = arith.constant 2 : i32
      %shift_right_logical3A_145 = arith.shrui %scan3A_135, %shift_right_logical3A_144 : i32
      %and3A_146 = arith.constant 3 : i32
      %and3A_147 = arith.andi %scan3A_135, %and3A_146 : i32
      %mul3A_148 = arith.constant 4096 : i32
      %mul3A_149 = arith.muli %and3A_147, %mul3A_148 : i32
      %add3A_150 = arith.addi %mul3A_149, %mul3A_2 : i32
      %mul3A_151 = arith.constant 16 : i32
      %mul3A_152 = arith.muli %shift_right_logical3A_145, %mul3A_151 : i32
      %add3A_153 = arith.addi %add3A_150, %mul3A_152 : i32
      %dma_wait3A_154 = arith.constant 0 : i32
      %dma_wait3A_155 = arith.constant 0 : i32
      %dma_wait3A_156 = tpu.memref_slice %arg5[%rem3A_137, %dma_wait3A_154, %dma_wait3A_155] : memref<2x16x1024xf32, #tpu.memory_space<vmem>> -> memref<1x16x1024xf32, #tpu.memory_space<vmem>>
      %dma_wait3A_157 = tpu.memref_squeeze %dma_wait3A_156 : memref<1x16x1024xf32, #tpu.memory_space<vmem>> -> memref<16x1024xf32, #tpu.memory_space<vmem>>
      %dma_wait3A_158 = arith.constant 0 : i32
      %dma_wait3A_159 = tpu.memref_slice %arg2[%add3A_153, %dma_wait3A_158] : memref<16384x1024xf32, #tpu.memory_space<hbm>> -> memref<16x1024xf32, #tpu.memory_space<hbm>>
      %dma_wait3A_160 = tpu.memref_slice %arg8[%rem3A_137] : memref<2x!tpu.dma_semaphore, #tpu.memory_space<semaphore_mem>> -> memref<1x!tpu.dma_semaphore, #tpu.memory_space<semaphore_mem>>
      %dma_wait3A_161 = tpu.memref_squeeze %dma_wait3A_160 : memref<1x!tpu.dma_semaphore, #tpu.memory_space<semaphore_mem>> -> memref<!tpu.dma_semaphore, #tpu.memory_space<semaphore_mem>>
      %dma_wait3A_162 = arith.constant 0 : i32
      %dma_wait3A_163 = arith.constant 0 : i32
      %dma_wait3A_164 = tpu.memref_slice %arg5[%rem3A_137, %dma_wait3A_162, %dma_wait3A_163] : memref<2x16x1024xf32, #tpu.memory_space<vmem>> -> memref<1x16x1024xf32, #tpu.memory_space<vmem>>
      %dma_wait3A_165 = tpu.memref_squeeze %dma_wait3A_164 : memref<1x16x1024xf32, #tpu.memory_space<vmem>> -> memref<16x1024xf32, #tpu.memory_space<vmem>>
      %dma_wait3A_166 = arith.constant 0 : i32
      %dma_wait3A_167 = tpu.memref_slice %arg2[%add3A_153, %dma_wait3A_166] : memref<16384x1024xf32, #tpu.memory_space<hbm>> -> memref<16x1024xf32, #tpu.memory_space<hbm>>
      tpu.wait_dma2 semaphore(%dma_wait3A_161 : memref<!tpu.dma_semaphore, #tpu.memory_space<semaphore_mem>>) src(%dma_wait3A_167 : memref<16x1024xf32, #tpu.memory_space<hbm>>) dst(%dma_wait3A_165 : memref<16x1024xf32, #tpu.memory_space<vmem>>)
      %eq3A = arith.constant 0 : i32
      %eq3A_168 = arith.cmpi eq, %and3A_141, %eq3A : i32
      %convert_element_type3A = arith.extui %eq3A_168 : i1 to i32
      %cond3A = arith.constant 0 : i32
      %cond3A_169 = arith.cmpi ne, %convert_element_type3A, %cond3A : i32
      scf.if %cond3A_169 {
        %mul3A_206 = arith.constant 16 : i32
        %mul3A_207 = arith.muli %shift_right_logical3A_139, %mul3A_206 : i32
        %add3A_208 = arith.addi %mul3A_2, %mul3A_207 : i32
        %dma_wait3A_209 = arith.constant 0 : i32
        %dma_wait3A_210 = arith.constant 0 : i32
        %dma_wait3A_211 = tpu.memref_slice %arg6[%rem3A_143, %dma_wait3A_209, %dma_wait3A_210] : memref<2x16x1024xf32, #tpu.memory_space<vmem>> -> memref<1x16x1024xf32, #tpu.memory_space<vmem>>
        %dma_wait3A_212 = tpu.memref_squeeze %dma_wait3A_211 : memref<1x16x1024xf32, #tpu.memory_space<vmem>> -> memref<16x1024xf32, #tpu.memory_space<vmem>>
        %dma_wait3A_213 = arith.constant 0 : i32
        %dma_wait3A_214 = tpu.memref_slice %arg3[%add3A_208, %dma_wait3A_213] : memref<8192x1024xf32, #tpu.memory_space<hbm>> -> memref<16x1024xf32, #tpu.memory_space<hbm>>
        %dma_wait3A_215 = tpu.memref_slice %arg9[%rem3A_143] : memref<2x!tpu.dma_semaphore, #tpu.memory_space<semaphore_mem>> -> memref<1x!tpu.dma_semaphore, #tpu.memory_space<semaphore_mem>>
        %dma_wait3A_216 = tpu.memref_squeeze %dma_wait3A_215 : memref<1x!tpu.dma_semaphore, #tpu.memory_space<semaphore_mem>> -> memref<!tpu.dma_semaphore, #tpu.memory_space<semaphore_mem>>
        %dma_wait3A_217 = arith.constant 0 : i32
        %dma_wait3A_218 = arith.constant 0 : i32
        %dma_wait3A_219 = tpu.memref_slice %arg6[%rem3A_143, %dma_wait3A_217, %dma_wait3A_218] : memref<2x16x1024xf32, #tpu.memory_space<vmem>> -> memref<1x16x1024xf32, #tpu.memory_space<vmem>>
        %dma_wait3A_220 = tpu.memref_squeeze %dma_wait3A_219 : memref<1x16x1024xf32, #tpu.memory_space<vmem>> -> memref<16x1024xf32, #tpu.memory_space<vmem>>
        %dma_wait3A_221 = arith.constant 0 : i32
        %dma_wait3A_222 = tpu.memref_slice %arg3[%add3A_208, %dma_wait3A_221] : memref<8192x1024xf32, #tpu.memory_space<hbm>> -> memref<16x1024xf32, #tpu.memory_space<hbm>>
        tpu.wait_dma2 semaphore(%dma_wait3A_216 : memref<!tpu.dma_semaphore, #tpu.memory_space<semaphore_mem>>) src(%dma_wait3A_222 : memref<16x1024xf32, #tpu.memory_space<hbm>>) dst(%dma_wait3A_220 : memref<16x1024xf32, #tpu.memory_space<vmem>>)
        %add3A_223 = arith.constant 1 : i32
        %add3A_224 = arith.addi %shift_right_logical3A_139, %add3A_223 : i32
        %lt3A_225 = arith.constant 8 : i32
        %lt3A_226 = arith.cmpi slt, %add3A_224, %lt3A_225 : i32
        %convert_element_type3A_227 = arith.extui %lt3A_226 : i1 to i32
        %cond3A_228 = arith.constant 0 : i32
        %cond3A_229 = arith.cmpi ne, %convert_element_type3A_227, %cond3A_228 : i32
        scf.if %cond3A_229 {
          %add3A_230 = arith.constant 1 : i32
          %add3A_231 = arith.addi %shift_right_logical3A_139, %add3A_230 : i32
          %add3A_232 = arith.constant 1 : i32
          %add3A_233 = arith.addi %shift_right_logical3A_139, %add3A_232 : i32
          %rem3A_234 = arith.constant 2 : i32
          %rem3A_235 = arith.remsi %add3A_233, %rem3A_234 : i32
          %mul3A_236 = arith.constant 16 : i32
          %mul3A_237 = arith.muli %add3A_231, %mul3A_236 : i32
          %add3A_238 = arith.addi %mul3A_2, %mul3A_237 : i32
          %dma_start3A_239 = arith.constant 0 : i32
          %dma_start3A_240 = arith.constant 0 : i32
          %dma_start3A_241 = tpu.memref_slice %arg6[%rem3A_235, %dma_start3A_239, %dma_start3A_240] : memref<2x16x1024xf32, #tpu.memory_space<vmem>> -> memref<1x16x1024xf32, #tpu.memory_space<vmem>>
          %dma_start3A_242 = tpu.memref_squeeze %dma_start3A_241 : memref<1x16x1024xf32, #tpu.memory_space<vmem>> -> memref<16x1024xf32, #tpu.memory_space<vmem>>
          %dma_start3A_243 = arith.constant 0 : i32
          %dma_start3A_244 = tpu.memref_slice %arg3[%add3A_238, %dma_start3A_243] : memref<8192x1024xf32, #tpu.memory_space<hbm>> -> memref<16x1024xf32, #tpu.memory_space<hbm>>
          %dma_start3A_245 = tpu.memref_slice %arg9[%rem3A_235] : memref<2x!tpu.dma_semaphore, #tpu.memory_space<semaphore_mem>> -> memref<1x!tpu.dma_semaphore, #tpu.memory_space<semaphore_mem>>
          %dma_start3A_246 = tpu.memref_squeeze %dma_start3A_245 : memref<1x!tpu.dma_semaphore, #tpu.memory_space<semaphore_mem>> -> memref<!tpu.dma_semaphore, #tpu.memory_space<semaphore_mem>>
          %dma_start3A_247 = arith.constant 0 : i32
          %dma_start3A_248 = arith.constant 0 : i32
          %dma_start3A_249 = tpu.memref_slice %arg6[%rem3A_235, %dma_start3A_247, %dma_start3A_248] : memref<2x16x1024xf32, #tpu.memory_space<vmem>> -> memref<1x16x1024xf32, #tpu.memory_space<vmem>>
          %dma_start3A_250 = tpu.memref_squeeze %dma_start3A_249 : memref<1x16x1024xf32, #tpu.memory_space<vmem>> -> memref<16x1024xf32, #tpu.memory_space<vmem>>
          %dma_start3A_251 = arith.constant 0 : i32
          %dma_start3A_252 = tpu.memref_slice %arg3[%add3A_238, %dma_start3A_251] : memref<8192x1024xf32, #tpu.memory_space<hbm>> -> memref<16x1024xf32, #tpu.memory_space<hbm>>
          tpu.enqueue_dma source(%dma_start3A_252 : memref<16x1024xf32, #tpu.memory_space<hbm>>) target(%dma_start3A_250 : memref<16x1024xf32, #tpu.memory_space<vmem>>) target_semaphore(%dma_start3A_246 : memref<!tpu.dma_semaphore, #tpu.memory_space<semaphore_mem>>)
        } else {
        }
      } else {
      }
      %ge3A = arith.constant 2 : i32
      %ge3A_170 = arith.cmpi sge, %scan3A_135, %ge3A : i32
      %convert_element_type3A_171 = arith.extui %ge3A_170 : i1 to i32
      %cond3A_172 = arith.constant 0 : i32
      %cond3A_173 = arith.cmpi ne, %convert_element_type3A_171, %cond3A_172 : i32
      scf.if %cond3A_173 {
        %sub3A = arith.constant 2 : i32
        %sub3A_206 = arith.subi %scan3A_135, %sub3A : i32
        %shift_right_logical3A_207 = arith.constant 2 : i32
        %shift_right_logical3A_208 = arith.shrui %sub3A_206, %shift_right_logical3A_207 : i32
        %and3A_209 = arith.constant 3 : i32
        %and3A_210 = arith.andi %sub3A_206, %and3A_209 : i32
        %mul3A_211 = arith.constant 4096 : i32
        %mul3A_212 = arith.muli %and3A_210, %mul3A_211 : i32
        %add3A_213 = arith.addi %mul3A_212, %mul3A_2 : i32
        %mul3A_214 = arith.constant 16 : i32
        %mul3A_215 = arith.muli %shift_right_logical3A_208, %mul3A_214 : i32
        %add3A_216 = arith.addi %add3A_213, %mul3A_215 : i32
        %dma_wait3A_217 = arith.constant 0 : i32
        %dma_wait3A_218 = arith.constant 0 : i32
        %dma_wait3A_219 = tpu.memref_slice %arg7[%rem3A_137, %dma_wait3A_217, %dma_wait3A_218] : memref<2x16x1024xf32, #tpu.memory_space<vmem>> -> memref<1x16x1024xf32, #tpu.memory_space<vmem>>
        %dma_wait3A_220 = tpu.memref_squeeze %dma_wait3A_219 : memref<1x16x1024xf32, #tpu.memory_space<vmem>> -> memref<16x1024xf32, #tpu.memory_space<vmem>>
        %dma_wait3A_221 = arith.constant 0 : i32
        %dma_wait3A_222 = tpu.memref_slice %arg4[%add3A_216, %dma_wait3A_221] : memref<16384x1024xf32, #tpu.memory_space<hbm>> -> memref<16x1024xf32, #tpu.memory_space<hbm>>
        %dma_wait3A_223 = tpu.memref_slice %arg10[%rem3A_137] : memref<2x!tpu.dma_semaphore, #tpu.memory_space<semaphore_mem>> -> memref<1x!tpu.dma_semaphore, #tpu.memory_space<semaphore_mem>>
        %dma_wait3A_224 = tpu.memref_squeeze %dma_wait3A_223 : memref<1x!tpu.dma_semaphore, #tpu.memory_space<semaphore_mem>> -> memref<!tpu.dma_semaphore, #tpu.memory_space<semaphore_mem>>
        %dma_wait3A_225 = arith.constant 0 : i32
        %dma_wait3A_226 = tpu.memref_slice %arg4[%add3A_216, %dma_wait3A_225] : memref<16384x1024xf32, #tpu.memory_space<hbm>> -> memref<16x1024xf32, #tpu.memory_space<hbm>>
        %dma_wait3A_227 = arith.constant 0 : i32
        %dma_wait3A_228 = arith.constant 0 : i32
        %dma_wait3A_229 = tpu.memref_slice %arg7[%rem3A_137, %dma_wait3A_227, %dma_wait3A_228] : memref<2x16x1024xf32, #tpu.memory_space<vmem>> -> memref<1x16x1024xf32, #tpu.memory_space<vmem>>
        %dma_wait3A_230 = tpu.memref_squeeze %dma_wait3A_229 : memref<1x16x1024xf32, #tpu.memory_space<vmem>> -> memref<16x1024xf32, #tpu.memory_space<vmem>>
        tpu.wait_dma2 semaphore(%dma_wait3A_224 : memref<!tpu.dma_semaphore, #tpu.memory_space<semaphore_mem>>) src(%dma_wait3A_230 : memref<16x1024xf32, #tpu.memory_space<vmem>>) dst(%dma_wait3A_226 : memref<16x1024xf32, #tpu.memory_space<hbm>>)
      } else {
      }
      %parallel_loop3A = arith.constant 0 : i32
      %parallel_loop3A_174 = arith.constant 16384 : i32
      %parallel_loop3A_175 = arith.constant 16 : i32
      scf.for %parallel_loop3A_206 = %parallel_loop3A to %parallel_loop3A_174 step %parallel_loop3A_175  : i32 {
        %parallel_loop3A_207 = arith.constant 10 : i32
        %parallel_loop3A_208 = arith.shrui %parallel_loop3A_206, %parallel_loop3A_207 : i32
        %parallel_loop3A_209 = arith.constant 1023 : i32
        %parallel_loop3A_210 = arith.andi %parallel_loop3A_206, %parallel_loop3A_209 : i32
        %parallel_loop3A_211 = tpu.assume_multiple %parallel_loop3A_210, 16 : i32
        %parallel_loop3A_212 = arith.index_cast %rem3A_137 : i32 to index
        %parallel_loop3A_213 = arith.index_cast %parallel_loop3A_208 : i32 to index
        %parallel_loop3A_214 = arith.index_cast %parallel_loop3A_211 : i32 to index
        %parallel_loop3A_215 = tpu.vector_load %arg5[%parallel_loop3A_212, %parallel_loop3A_213, %parallel_loop3A_214] {strides = array<i32>} : memref<2x16x1024xf32, #tpu.memory_space<vmem>>, vector<1x1x16xf32>,
        %parallel_loop3A_216 = vector.shape_cast %parallel_loop3A_215 : vector<1x1x16xf32> to vector<16xf32>
        %parallel_loop3A_217 = arith.index_cast %rem3A_143 : i32 to index
        %parallel_loop3A_218 = arith.index_cast %parallel_loop3A_208 : i32 to index
        %parallel_loop3A_219 = arith.index_cast %parallel_loop3A_211 : i32 to index
        %parallel_loop3A_220 = tpu.vector_load %arg6[%parallel_loop3A_217, %parallel_loop3A_218, %parallel_loop3A_219] {strides = array<i32>} : memref<2x16x1024xf32, #tpu.memory_space<vmem>>, vector<1x1x16xf32>,
        %parallel_loop3A_221 = vector.shape_cast %parallel_loop3A_220 : vector<1x1x16xf32> to vector<16xf32>
        %parallel_loop3A_222 = arith.addf %parallel_loop3A_216, %parallel_loop3A_221 : vector<16xf32>
        %parallel_loop3A_223 = arith.index_cast %rem3A_137 : i32 to index
        %parallel_loop3A_224 = arith.index_cast %parallel_loop3A_208 : i32 to index
        %parallel_loop3A_225 = arith.index_cast %parallel_loop3A_211 : i32 to index
        %parallel_loop3A_226 = tpu.vector_load %arg7[%parallel_loop3A_223, %parallel_loop3A_224, %parallel_loop3A_225] {strides = array<i32>} : memref<2x16x1024xf32, #tpu.memory_space<vmem>>, vector<1x1x16xf32>,
        %parallel_loop3A_227 = vector.shape_cast %parallel_loop3A_226 : vector<1x1x16xf32> to vector<16xf32>
        %parallel_loop3A_228 = vector.shape_cast %parallel_loop3A_222 : vector<16xf32> to vector<1x1x16xf32>
        tpu.vector_store %arg7[%parallel_loop3A_223, %parallel_loop3A_224, %parallel_loop3A_225], %parallel_loop3A_228 {strides = array<i32>} : memref<2x16x1024xf32, #tpu.memory_space<vmem>>, vector<1x1x16xf32>,
      } {sc.loop_unroll_factor = 16 : i64, sc.parallel_access}
      %shift_right_logical3A_176 = arith.constant 2 : i32
      %shift_right_logical3A_177 = arith.shrui %scan3A_135, %shift_right_logical3A_176 : i32
      %and3A_178 = arith.constant 3 : i32
      %and3A_179 = arith.andi %scan3A_135, %and3A_178 : i32
      %mul3A_180 = arith.constant 4096 : i32
      %mul3A_181 = arith.muli %and3A_179, %mul3A_180 : i32
      %add3A_182 = arith.addi %mul3A_181, %mul3A_2 : i32
      %mul3A_183 = arith.constant 16 : i32
      %mul3A_184 = arith.muli %shift_right_logical3A_177, %mul3A_183 : i32
      %add3A_185 = arith.addi %add3A_182, %mul3A_184 : i32
      %dma_start3A_186 = arith.constant 0 : i32
      %dma_start3A_187 = arith.constant 0 : i32
      %dma_start3A_188 = tpu.memref_slice %arg7[%rem3A_137, %dma_start3A_186, %dma_start3A_187] : memref<2x16x1024xf32, #tpu.memory_space<vmem>> -> memref<1x16x1024xf32, #tpu.memory_space<vmem>>
      %dma_start3A_189 = tpu.memref_squeeze %dma_start3A_188 : memref<1x16x1024xf32, #tpu.memory_space<vmem>> -> memref<16x1024xf32, #tpu.memory_space<vmem>>
      %dma_start3A_190 = arith.constant 0 : i32
      %dma_start3A_191 = tpu.memref_slice %arg4[%add3A_185, %dma_start3A_190] : memref<16384x1024xf32, #tpu.memory_space<hbm>> -> memref<16x1024xf32, #tpu.memory_space<hbm>>
      %dma_start3A_192 = tpu.memref_slice %arg10[%rem3A_137] : memref<2x!tpu.dma_semaphore, #tpu.memory_space<semaphore_mem>> -> memref<1x!tpu.dma_semaphore, #tpu.memory_space<semaphore_mem>>
      %dma_start3A_193 = tpu.memref_squeeze %dma_start3A_192 : memref<1x!tpu.dma_semaphore, #tpu.memory_space<semaphore_mem>> -> memref<!tpu.dma_semaphore, #tpu.memory_space<semaphore_mem>>
      %dma_start3A_194 = arith.constant 0 : i32
      %dma_start3A_195 = tpu.memref_slice %arg4[%add3A_185, %dma_start3A_194] : memref<16384x1024xf32, #tpu.memory_space<hbm>> -> memref<16x1024xf32, #tpu.memory_space<hbm>>
      %dma_start3A_196 = arith.constant 0 : i32
      %dma_start3A_197 = arith.constant 0 : i32
      %dma_start3A_198 = tpu.memref_slice %arg7[%rem3A_137, %dma_start3A_196, %dma_start3A_197] : memref<2x16x1024xf32, #tpu.memory_space<vmem>> -> memref<1x16x1024xf32, #tpu.memory_space<vmem>>
      %dma_start3A_199 = tpu.memref_squeeze %dma_start3A_198 : memref<1x16x1024xf32, #tpu.memory_space<vmem>> -> memref<16x1024xf32, #tpu.memory_space<vmem>>
      tpu.enqueue_dma source(%dma_start3A_199 : memref<16x1024xf32, #tpu.memory_space<vmem>>) target(%dma_start3A_195 : memref<16x1024xf32, #tpu.memory_space<hbm>>) target_semaphore(%dma_start3A_193 : memref<!tpu.dma_semaphore, #tpu.memory_space<semaphore_mem>>)
      %add3A_200 = arith.constant 2 : i32
      %add3A_201 = arith.addi %scan3A_135, %add3A_200 : i32
      %lt3A = arith.constant 32 : i32
      %lt3A_202 = arith.cmpi slt, %add3A_201, %lt3A : i32
      %convert_element_type3A_203 = arith.extui %lt3A_202 : i1 to i32
      %cond3A_204 = arith.constant 0 : i32
      %cond3A_205 = arith.cmpi ne, %convert_element_type3A_203, %cond3A_204 : i32
      scf.if %cond3A_205 {
        %add3A_206 = arith.constant 2 : i32
        %add3A_207 = arith.addi %scan3A_135, %add3A_206 : i32
        %shift_right_logical3A_208 = arith.constant 2 : i32
        %shift_right_logical3A_209 = arith.shrui %add3A_207, %shift_right_logical3A_208 : i32
        %and3A_210 = arith.constant 3 : i32
        %and3A_211 = arith.andi %add3A_207, %and3A_210 : i32
        %mul3A_212 = arith.constant 4096 : i32
        %mul3A_213 = arith.muli %and3A_211, %mul3A_212 : i32
        %add3A_214 = arith.addi %mul3A_213, %mul3A_2 : i32
        %mul3A_215 = arith.constant 16 : i32
        %mul3A_216 = arith.muli %shift_right_logical3A_209, %mul3A_215 : i32
        %add3A_217 = arith.addi %add3A_214, %mul3A_216 : i32
        %dma_start3A_218 = arith.constant 0 : i32
        %dma_start3A_219 = arith.constant 0 : i32
        %dma_start3A_220 = tpu.memref_slice %arg5[%rem3A_137, %dma_start3A_218, %dma_start3A_219] : memref<2x16x1024xf32, #tpu.memory_space<vmem>> -> memref<1x16x1024xf32, #tpu.memory_space<vmem>>
        %dma_start3A_221 = tpu.memref_squeeze %dma_start3A_220 : memref<1x16x1024xf32, #tpu.memory_space<vmem>> -> memref<16x1024xf32, #tpu.memory_space<vmem>>
        %dma_start3A_222 = arith.constant 0 : i32
        %dma_start3A_223 = tpu.memref_slice %arg2[%add3A_217, %dma_start3A_222] : memref<16384x1024xf32, #tpu.memory_space<hbm>> -> memref<16x1024xf32, #tpu.memory_space<hbm>>
        %dma_start3A_224 = tpu.memref_slice %arg8[%rem3A_137] : memref<2x!tpu.dma_semaphore, #tpu.memory_space<semaphore_mem>> -> memref<1x!tpu.dma_semaphore, #tpu.memory_space<semaphore_mem>>
        %dma_start3A_225 = tpu.memref_squeeze %dma_start3A_224 : memref<1x!tpu.dma_semaphore, #tpu.memory_space<semaphore_mem>> -> memref<!tpu.dma_semaphore, #tpu.memory_space<semaphore_mem>>
        %dma_start3A_226 = arith.constant 0 : i32
        %dma_start3A_227 = arith.constant 0 : i32
        %dma_start3A_228 = tpu.memref_slice %arg5[%rem3A_137, %dma_start3A_226, %dma_start3A_227] : memref<2x16x1024xf32, #tpu.memory_space<vmem>> -> memref<1x16x1024xf32, #tpu.memory_space<vmem>>
        %dma_start3A_229 = tpu.memref_squeeze %dma_start3A_228 : memref<1x16x1024xf32, #tpu.memory_space<vmem>> -> memref<16x1024xf32, #tpu.memory_space<vmem>>
        %dma_start3A_230 = arith.constant 0 : i32
        %dma_start3A_231 = tpu.memref_slice %arg2[%add3A_217, %dma_start3A_230] : memref<16384x1024xf32, #tpu.memory_space<hbm>> -> memref<16x1024xf32, #tpu.memory_space<hbm>>
        tpu.enqueue_dma source(%dma_start3A_231 : memref<16x1024xf32, #tpu.memory_space<hbm>>) target(%dma_start3A_229 : memref<16x1024xf32, #tpu.memory_space<vmem>>) target_semaphore(%dma_start3A_225 : memref<!tpu.dma_semaphore, #tpu.memory_space<semaphore_mem>>)
      } else {
      }
    }
    %scan3A_78 = arith.constant 32 : i32
    %rem3A = arith.constant 30 : i32
    %rem3A_79 = arith.constant 2 : i32
    %rem3A_80 = arith.remsi %rem3A, %rem3A_79 : i32
    %shift_right_logical3A_81 = arith.constant 30 : i32
    %shift_right_logical3A_82 = arith.constant 2 : i32
    %shift_right_logical3A_83 = arith.shrui %shift_right_logical3A_81, %shift_right_logical3A_82 : i32
    %and3A_84 = arith.constant 30 : i32
    %and3A_85 = arith.constant 3 : i32
    %and3A_86 = arith.andi %and3A_84, %and3A_85 : i32
    %mul3A_87 = arith.constant 4096 : i32
    %mul3A_88 = arith.muli %and3A_86, %mul3A_87 : i32
    %add3A_89 = arith.addi %mul3A_88, %mul3A_2 : i32
    %mul3A_90 = arith.constant 16 : i32
    %mul3A_91 = arith.muli %shift_right_logical3A_83, %mul3A_90 : i32
    %add3A_92 = arith.addi %add3A_89, %mul3A_91 : i32
    %dma_wait3A = arith.constant 0 : i32
    %dma_wait3A_93 = arith.constant 0 : i32
    %dma_wait3A_94 = tpu.memref_slice %arg7[%rem3A_80, %dma_wait3A, %dma_wait3A_93] : memref<2x16x1024xf32, #tpu.memory_space<vmem>> -> memref<1x16x1024xf32, #tpu.memory_space<vmem>>
    %dma_wait3A_95 = tpu.memref_squeeze %dma_wait3A_94 : memref<1x16x1024xf32, #tpu.memory_space<vmem>> -> memref<16x1024xf32, #tpu.memory_space<vmem>>
    %dma_wait3A_96 = arith.constant 0 : i32
    %dma_wait3A_97 = tpu.memref_slice %arg4[%add3A_92, %dma_wait3A_96] : memref<16384x1024xf32, #tpu.memory_space<hbm>> -> memref<16x1024xf32, #tpu.memory_space<hbm>>
    %dma_wait3A_98 = tpu.memref_slice %arg10[%rem3A_80] : memref<2x!tpu.dma_semaphore, #tpu.memory_space<semaphore_mem>> -> memref<1x!tpu.dma_semaphore, #tpu.memory_space<semaphore_mem>>
    %dma_wait3A_99 = tpu.memref_squeeze %dma_wait3A_98 : memref<1x!tpu.dma_semaphore, #tpu.memory_space<semaphore_mem>> -> memref<!tpu.dma_semaphore, #tpu.memory_space<semaphore_mem>>
    %dma_wait3A_100 = arith.constant 0 : i32
    %dma_wait3A_101 = tpu.memref_slice %arg4[%add3A_92, %dma_wait3A_100] : memref<16384x1024xf32, #tpu.memory_space<hbm>> -> memref<16x1024xf32, #tpu.memory_space<hbm>>
    %dma_wait3A_102 = arith.constant 0 : i32
    %dma_wait3A_103 = arith.constant 0 : i32
    %dma_wait3A_104 = tpu.memref_slice %arg7[%rem3A_80, %dma_wait3A_102, %dma_wait3A_103] : memref<2x16x1024xf32, #tpu.memory_space<vmem>> -> memref<1x16x1024xf32, #tpu.memory_space<vmem>>
    %dma_wait3A_105 = tpu.memref_squeeze %dma_wait3A_104 : memref<1x16x1024xf32, #tpu.memory_space<vmem>> -> memref<16x1024xf32, #tpu.memory_space<vmem>>
    tpu.wait_dma2 semaphore(%dma_wait3A_99 : memref<!tpu.dma_semaphore, #tpu.memory_space<semaphore_mem>>) src(%dma_wait3A_105 : memref<16x1024xf32, #tpu.memory_space<vmem>>) dst(%dma_wait3A_101 : memref<16x1024xf32, #tpu.memory_space<hbm>>)
    %rem3A_106 = arith.constant 31 : i32
    %rem3A_107 = arith.constant 2 : i32
    %rem3A_108 = arith.remsi %rem3A_106, %rem3A_107 : i32
    %shift_right_logical3A_109 = arith.constant 31 : i32
    %shift_right_logical3A_110 = arith.constant 2 : i32
    %shift_right_logical3A_111 = arith.shrui %shift_right_logical3A_109, %shift_right_logical3A_110 : i32
    %and3A_112 = arith.constant 31 : i32
    %and3A_113 = arith.constant 3 : i32
    %and3A_114 = arith.andi %and3A_112, %and3A_113 : i32
    %mul3A_115 = arith.constant 4096 : i32
    %mul3A_116 = arith.muli %and3A_114, %mul3A_115 : i32
    %add3A_117 = arith.addi %mul3A_116, %mul3A_2 : i32
    %mul3A_118 = arith.constant 16 : i32
    %mul3A_119 = arith.muli %shift_right_logical3A_111, %mul3A_118 : i32
    %add3A_120 = arith.addi %add3A_117, %mul3A_119 : i32
    %dma_wait3A_121 = arith.constant 0 : i32
    %dma_wait3A_122 = arith.constant 0 : i32
    %dma_wait3A_123 = tpu.memref_slice %arg7[%rem3A_108, %dma_wait3A_121, %dma_wait3A_122] : memref<2x16x1024xf32, #tpu.memory_space<vmem>> -> memref<1x16x1024xf32, #tpu.memory_space<vmem>>
    %dma_wait3A_124 = tpu.memref_squeeze %dma_wait3A_123 : memref<1x16x1024xf32, #tpu.memory_space<vmem>> -> memref<16x1024xf32, #tpu.memory_space<vmem>>
    %dma_wait3A_125 = arith.constant 0 : i32
    %dma_wait3A_126 = tpu.memref_slice %arg4[%add3A_120, %dma_wait3A_125] : memref<16384x1024xf32, #tpu.memory_space<hbm>> -> memref<16x1024xf32, #tpu.memory_space<hbm>>
    %dma_wait3A_127 = tpu.memref_slice %arg10[%rem3A_108] : memref<2x!tpu.dma_semaphore, #tpu.memory_space<semaphore_mem>> -> memref<1x!tpu.dma_semaphore, #tpu.memory_space<semaphore_mem>>
    %dma_wait3A_128 = tpu.memref_squeeze %dma_wait3A_127 : memref<1x!tpu.dma_semaphore, #tpu.memory_space<semaphore_mem>> -> memref<!tpu.dma_semaphore, #tpu.memory_space<semaphore_mem>>
    %dma_wait3A_129 = arith.constant 0 : i32
    %dma_wait3A_130 = tpu.memref_slice %arg4[%add3A_120, %dma_wait3A_129] : memref<16384x1024xf32, #tpu.memory_space<hbm>> -> memref<16x1024xf32, #tpu.memory_space<hbm>>
    %dma_wait3A_131 = arith.constant 0 : i32
    %dma_wait3A_132 = arith.constant 0 : i32
    %dma_wait3A_133 = tpu.memref_slice %arg7[%rem3A_108, %dma_wait3A_131, %dma_wait3A_132] : memref<2x16x1024xf32, #tpu.memory_space<vmem>> -> memref<1x16x1024xf32, #tpu.memory_space<vmem>>
    %dma_wait3A_134 = tpu.memref_squeeze %dma_wait3A_133 : memref<1x16x1024xf32, #tpu.memory_space<vmem>> -> memref<16x1024xf32, #tpu.memory_space<vmem>>
    tpu.wait_dma2 semaphore(%dma_wait3A_128 : memref<!tpu.dma_semaphore, #tpu.memory_space<semaphore_mem>>) src(%dma_wait3A_134 : memref<16x1024xf32, #tpu.memory_space<vmem>>) dst(%dma_wait3A_130 : memref<16x1024xf32, #tpu.memory_space<hbm>>)
    return
  }
}

</mosaic_0001>

<sc_bundles>
// kernel: kernel.3.cloned.1.call-start
scs
__scs_entry_jumppad:
0x0: {  	(pc) =	sbr.rel $0x88, $3  }
0x1: {  	(tag) =	ssettag $0x0;
	lr =	simm.s32 $0x1  }
0x2: {  	[smem:$0x3F9F] =	sst lr;
	_ =	strace $0xD0000000  }
0x3: {  	_ = 	snop  }
0x4: {  	_ = 	snop  }
0x5: {  	_ = 	snop  }
0x6: {  	_ = 	snop  }
0x7: {  	_ = 	snop  }
__scs_overlays_trampoline_lowered:
0x8: {  	[smem:$0x3FAE] =	sst s0  }
0x9: {  	[smem:$0x3FAF] =	sst s1  }
0xa: {  	[smem:$0x3FB0] =	sst s2  }
0xb: {  	[smem:$0x3FB1] =	sst s3  }
0xc: {  	[smem:$0x3FB2] =	sst s4  }
0xd: {  	[smem:$0x3FB3] =	sst s5  }
0xe: {  	[smem:$0x3FB4] =	sst s6  }
0xf: {  	[smem:$0x3FB5] =	sst s7  }
0x10: {  	[smem:$0x3FB6] =	sst s8  }
0x11: {  	[smem:$0x3FB7] =	sst s9;
	s0 =	simm.s32 @!p0 $0x0  }
0x12: {  	s1 =	sld [smem:$0x3F9D];
	s0 =	simm.s32 @p0 $0x1  }
0x13: {  	[smem:$0x3FB8] =	sst s0;
	s0 =	simm.s32 @!p1 $0x0  }
0x14: {  	s2 =	sld [smem:$0x3F9C];
	s0 =	simm.s32 @p1 $0x1  }
0x15: {  	[smem:$0x3FB9] =	sst s0;
	s0 =	simm.s32 @!p2 $0x0  }
0x16: {  	s3 =	sld [smem:$0x3FDB];
	s0 =	simm.s32 @p2 $0x1  }
0x17: {  	s4 =	simm.s32 $0x1BF5;
	[smem:$0x3FBB] =	sst s0  }
0x18: {  	s0 =	sld [smem:$0x3F9E];
	_ =	swait.ge [sflag:s4], $0x0  }
0x19: {  	s7 =	sld [smem:$0x3F9F]  }
0x1a: {  	s8 =	sadd.s32 $0xFFFFE003, lr  }
0x1b: {  	s9 =	sadd.s32 $0xFFFFFEF7, lr;
	s5 =	simm.s32 $0xFFFFFFFF;
	p2 =	slt.u32 s8, $0xFFFFF086  }
0x1c: {  	p1 =	slt.u32 s9, $0xF7A;
	s5 =	simm.s32 @!p2 $0x0  }
0x1d: {  	s5 =	simm.s32 @p1 $0x1;
	p0 =	seq.s32 s7, s2  }
0x1e: {  	s7 =	smul.u32 @!p0 $0xF7A, s2;
	p2 =	seq.s32 @!p0 s5, $0x0  }
0x1f: {  	s9 =	smul.u32 $0xF7A, s1;
	s8 =	simm.s32 @!p0 $0x1BF5;
	p2 =	por !p2, p0  }
0x20: {  	[sflag:s8] =	ssyncset.s32 @!p0 $0xFFFFF086;
	s6 =	sadd.s32 @!p0 s3, s7;
	s7 =	simm.s32 @!p0 $0x108  }
0x21: {  	s3 =	sadd.s32 s3, s9;
	s6 =	sadd.s32 @!p0 $0x88, s6;
	s7 =	simm.s32 @p2 $0x1082  }
0x22: {  	[simem:s7], [sflag:s8] =	dma.local @!p0 [hbm:s6], $0xF7A  }
0x23: {  	s9 =	sor.u32 $0xD0000000, s2;
	s6 =	simm.s32 $0x108;
	_ =	swait.ge @!p0 [sflag:s8], $0x0  }
0x24: {  	s3 =	sadd.s32 $0x88, s3;
	s6 =	simm.s32 @!p1 $0x1082;
	[sflag:s4] =	ssyncset.s32 $0xFFFFF086  }
0x25: {  	[simem:s6], [sflag:s4] =	dma.local [hbm:s3], $0xF7A  }
0x26: {  	[smem:$0x3F9F] =	sst s1;
	(tag) =	ssettag s2;
	_ =	strace s9  }
0x27: {  	s1 =	sld [smem:$0x3FAF]  }
0x28: {  	s2 =	sld [smem:$0x3FB0]  }
0x29: {  	s4 =	sld [smem:$0x3FB2]  }
0x2a: {  	p0 =	seq.s32 s5, $0x0;
	s5 =	sld [smem:$0x3FB3]  }
0x2b: {  	s6 =	sld [smem:$0x3FB4]  }
0x2c: {  	s7 =	sld [smem:$0x3FB5]  }
0x2d: {  	s3 =	simm.s32 $0x108;
	s8 =	sld [smem:$0x3FB6]  }
0x2e: {  	s3 =	simm.s32 @!p0 $0x1082;
	s9 =	sld [smem:$0x3FB7]  }
0x2f: {  	lr =	sadd.s32 s0, s3;
	s0 =	sld [smem:$0x3FAE]  }
0x30: {  	s3 =	sld [smem:$0x3FB1]  }
0x31: {  	[smem:$0x3FBA] =	sst s10  }
0x32: {  	s10 =	sld [smem:$0x3FB8];
	_ =	sdelay $0x3  }
0x33: {  	p0 =	seq.s32 s10, $0x1;
	s10 =	sld [smem:$0x3FBA];
	_ =	sdelay $0x3  }
0x34: {  	[smem:$0x3FBA] =	sst s10  }
0x35: {  	s10 =	sld [smem:$0x3FB9];
	_ =	sdelay $0x3  }
0x36: {  	p1 =	seq.s32 s10, $0x1;
	s10 =	sld [smem:$0x3FBA];
	_ =	sdelay $0x3  }
0x37: {  	[smem:$0x3FBA] =	sst s10  }
0x38: {  	s10 =	sld [smem:$0x3FBB]  }
0x39: {  	_ = 	snop;
	(pc) =	sbr.ind lr, $3  }
0x3a: {  	_ = 	snop  }
0x3b: {  	_ = 	snop  }
0x3c: {  	p2 =	seq.s32 s10, $0x1;
	s10 =	sld [smem:$0x3FBA]  }
0x3d: {  	_ =	shalt  }
0x3e: {  	_ =	shalt  }
0x3f: {  	_ =	shalt  }
0x40: {  	_ =	shalt  }
0x41: {  	_ =	shalt  }
0x42: {  	_ =	shalt  }
0x43: {  	_ =	shalt  }
0x44: {  	_ =	shalt  }
0x45: {  	_ =	shalt  }
0x46: {  	_ =	shalt  }
0x47: {  	_ =	shalt  }
0x48: {  	_ =	shalt  }
0x49: {  	_ =	shalt  }
0x4a: {  	_ =	shalt  }
0x4b: {  	_ =	shalt  }
0x4c: {  	_ =	shalt  }
0x4d: {  	_ =	shalt  }
0x4e: {  	_ =	shalt  }
0x4f: {  	_ =	shalt  }
0x50: {  	_ =	shalt  }
0x51: {  	_ =	shalt  }
0x52: {  	_ =	shalt  }
0x53: {  	_ =	shalt  }
0x54: {  	_ =	shalt  }
0x55: {  	_ =	shalt  }
0x56: {  	_ =	shalt  }
0x57: {  	_ =	shalt  }
0x58: {  	_ =	shalt  }
0x59: {  	_ =	shalt  }
0x5a: {  	_ =	shalt  }
0x5b: {  	_ =	shalt  }
0x5c: {  	_ =	shalt  }
0x5d: {  	_ =	shalt  }
0x5e: {  	_ =	shalt  }
0x5f: {  	_ =	shalt  }
0x60: {  	_ =	shalt  }
0x61: {  	_ =	shalt  }
0x62: {  	_ =	shalt  }
0x63: {  	_ =	shalt  }
0x64: {  	_ =	shalt  }
0x65: {  	_ =	shalt  }
0x66: {  	_ =	shalt  }
0x67: {  	_ =	shalt  }
0x68: {  	_ =	shalt  }
0x69: {  	_ =	shalt  }
0x6a: {  	_ =	shalt  }
0x6b: {  	_ =	shalt  }
0x6c: {  	_ =	shalt  }
0x6d: {  	_ =	shalt  }
0x6e: {  	_ =	shalt  }
0x6f: {  	_ =	shalt  }
0x70: {  	_ =	shalt  }
0x71: {  	_ =	shalt  }
0x72: {  	_ =	shalt  }
0x73: {  	_ =	shalt  }
0x74: {  	_ =	shalt  }
0x75: {  	_ =	shalt  }
0x76: {  	_ =	shalt  }
0x77: {  	_ =	shalt  }
0x78: {  	_ =	shalt  }
0x79: {  	_ =	shalt  }
0x7a: {  	_ =	shalt  }
0x7b: {  	_ =	shalt  }
0x7c: {  	_ =	shalt  }
0x7d: {  	_ =	shalt  }
0x7e: {  	_ =	shalt  }
0x7f: {  	_ =	shalt  }
0x80: {  	_ =	shalt  }
0x81: {  	_ =	shalt  }
0x82: {  	_ =	shalt  }
0x83: {  	_ =	shalt  }
0x84: {  	_ =	shalt  }
0x85: {  	_ =	shalt  }
0x86: {  	_ =	shalt  }
0x87: {  	_ =	shalt  }
.Lfunc_end0:
.L_simem_size_0:
called_computation_lowered:
.L_overlay_start_0:
0x88: {  	s2 =	sld [smem:$0x3FD9]  }
0x89: {  	s3 =	sld [smem:$0x3FFE];
	_ =	sdelay $0x1  }
0x8a: {  	s1 =	srdreg.scid  }
0x8b: {  	s0 =	sand.u32 $0x1, s1  }
0x8c: {  	s18 =	sshll.u32 s0, $0xA;
	s2 =	sadd.s32 s3, s2  }
0x8d: {  	s2 =	sadd.s32 s2, s18  }
0x8e: {  	[smem:$0x3FC6] =	sst s2  }
0x8f: {  	_ = 	snop  }
0x90: {  	s2 =	sld [smem:$0x3FC9]  }
0x91: {  	s19 =	sld [smem:$0x3FC8]  }
0x92: {  	s4 =	sld [smem:$0x3FD0];
	(tm) =	ssettm $0x1  }
0x93: {  	s5 =	sld [smem:$0x3FFB];
	_ =	sdelay $0x3  }
0x94: {  	_ =	strace s5  }
0x95: {  	s5 =	sld [smem:$0x3FFC];
	_ =	sdelay $0x3  }
0x96: {  	_ =	strace s5  }
0x97: {  	s5 =	sld [smem:$0x3FFD];
	_ =	sdelay $0x3  }
0x98: {  	_ =	strace s5  }
0x99: {  	_ =	strace $0x8FFFFFFF  }
0x9a: {  	s20 =	sld [smem:$0x3FDB];
	_ =	sdelay $0x1  }
0x9b: {  	s6 =	simm.s32 $_scs_section_size  }
0x9c: {  	s7 =	simm.s32 $_size__tile_overlayer_lowered;
	s8 =	simm.s32 $_tile_overlayer_lowered  }
0x9d: {  	s23 =	simm.s32 $0x1BFF;
	s22 =	sshll.u32 s8, $0x1;
	s5 =	sadd.s32 s6, s20  }
0x9e: {  	s9 =	simm.s32 $0x0;
	s21 =	sshll.u32 s7, $0x1;
	s7 =	sadd.s32 s22, s5  }
0x9f: {  	[timem:s9], [sflag:s23] =	dma.local [hbm:s7], s21  }
0xa0: {  	_ =	swait.ge [sflag:s23], s21  }
0xa1: {  	s6 =	ssub.s32 $0x0, s21;
	[sflag:s23] =	ssyncset.done $0x0  }
0xa2: {  	[sflag:s23] =	ssyncadd.s32 s6;
	_ =	sdelay $0x1  }
0xa3: {  	s24 =	simm.s32 $0x1B8B  }
0xa4: {  	_ =	swait.ge [sflag:s24], $0x1  }
0xa5: {  	[sflag:s24] =	ssyncset.done $0x0  }
0xa6: {  	s25 =	simm.s32 $0x1B8E;
	[sflag:s24] =	ssyncadd.s32 $0xFFFFFFFF  }
0xa7: {  	s26 =	simm.s32 $execute0_lowered;
	[smem:$0x3FD2] =	sst s25  }
0xa8: {  	s6 =	sshll.u32 s26, $0x1;
	_ =	strace $0x80000046;
	[dreg:$0x1] =	wrdreg $0xFFFFFFFF  }
0xa9: {  	s28 =	simm.s32 $_size_execute0_lowered;
	s5 =	sadd.s32 s5, s6;
	[dreg:$0x0] =	wrdreg $0x0  }
0xaa: {  	s6 =	sshll.u32 s28, $0x1;
	[dreg:$0x2] =	wrdreg s5  }
0xab: {  	[dreg:$0x3] =	wrdreg s6  }
0xac: {  	[dreg:$0x4] =	wrdreg $0xC0  }
0xad: {  	_ =	task [dreg:s9], $0x5FFFF  }
0xae: {  	[dreg:$0x1] =	wrdreg $0xFFFFFFFF  }
0xaf: {  	[dreg:$0x0] =	wrdreg $0x60  }
0xb0: {  	[dreg:$0x2] =	wrdreg s2  }
0xb1: {  	[dreg:$0x3] =	wrdreg s19  }
0xb2: {  	[dreg:$0x4] =	wrdreg s4  }
0xb3: {  	[dreg:$0x5] =	wrdreg $0x9  }
0xb4: {  	_ =	task.clear_ibuf [dreg:s9], $0x6FFFF;
	_ =	strace $0x90000046  }
0xb5: {  	s29 =	simm.s32 $0x9;
	_ =	strace $0x80000048  }
0xb6: {  	_ =	swait.ge [sflag:s29], $0x1  }
0xb7: {  	[sflag:s29] =	ssyncadd.s32 $0xFFFFFFFF  }
0xb8: {  	_ =	strace $0x90000048  }
0xb9: {  	_ =	sfence  }
0xba: {  	s30 =	sld [smem:$0x0];
	_ =	sdelay $0x2  }
0xbb: {  	s31 =	sshll.u32 s1, $0xD;
	s1 =	sshrl.u32 s1, $0x2  }
0xbc: {  	s3 =	sand.u32 $0x4000, s31;
	s1 =	sadd.s32 s1, s30  }
0xbd: {  	s0 =	sor.u32 s3, s0;
	s1 =	sshll.u32 s1, $0x11  }
0xbe: {  	s0 =	sor.u32 s1, s0  }
0xbf: {  	s0 =	sadd.s32 $0x8F2B, s0  }
0xc0: {  	[sflag:s0] =	ssyncadd.remote.s32 $0x1  }
0xc1: {  	_ =	sfence.sel $0xFFFF  }
0xc2: {  	[dreg:$0x0] =	wrdreg $0xFFFFFFFF;
	(pc) =	sbr.abs _section_cstart, $3  }
0xc3: {  	[dreg:$0x1] =	wrdreg $0xFFFFFFFF  }
0xc4: {  	_ =	task.clear_ibuf [dreg:s9], $0x2FFFF;
	_ =	strace $0x9FFFFFFF  }
0xc5: {  	(tm) =	ssettm $0x7FFFFFFF  }
tec
execute0_lowered:
.L_overlay_start_1:
0x0: {  	(tag) =	ssettag $0x1  }
0x1: {  	s1 =	srdreg.scid  }
0x2: {  	s3 =	rddreg [dreg:$0x0];
	s2 =	stileid.u32;
	s1 =	sand.u32 $0x1, s1  }
0x3: {  	s0 =	rddreg [dreg:$0x1];
	s4 =	sshll.u32 s2, $0x8;
	s6 =	sshll.u32 s1, $0x7  }
0x4: {  	s5 =	rddreg [dreg:$0x2];
	s26 =	simm.s32 $0x0;
	s4 =	sor.u32 s6, s4  }
0x5: {  	[smem:$0x7FF] =	sst s26;
	s1 =	ssub.s32 $0x2, s1;
	s7 =	sshll.u32 s4, $0x7  }
0x6: {  	s28 =	sshrl.u32 s1, $0x1;
	[dreg:$0x6] =	wrdreg s4;
	s29 =	sadd.s32 s3, s7  }
0x7: {  	_ =	strace $0x80000047;
	s0 =	sadd.s32 s0, s7;
	[dreg:$0x7] =	wrdreg s29  }
0x8: {  	s1 =	ssub.s32 s1, s28;
	s30 =	sadd.s32 s5, s7;
	[dreg:$0x9] =	wrdreg s0  }
0x9: {  	s31 =	smax.u32 s1, $0x1;
	[dreg:$0xa] =	wrdreg s30  }
0xa: {  	s2 =	sadd.s32 $0x80000, s29;
	[dreg:$0xb] =	wrdreg s31  }
0xb: {  	[dreg:$0x8] =	wrdreg s2;
	s2 =	simm.s32 $0x0  }
.LBB2_1:
0xc: {  	[dreg:$0xc] =	wrdreg s2  }
0xd: {  	s0 =	simm.s32 $0x0;
	s1 =	rddreg [dreg:$0x7]  }
0xe: {  	[tilespmem:s0], [sflag:$0x1] =	stream.linear.gather [hbm4b:s1+s0], $0x4000, $0x38;
	[tilespmem:$0x18000] =	vst v63  }
0xf: {  	s28 =	rddreg [dreg:$0x8];
	s29 =	simm.s32 $0x4000  }
0x10: {  	[tilespmem:s29], [sflag:$0x2] =	stream.linear.gather [hbm4b:s28+s0], $0x4000, $0x38;
	[tilespmem:$0x18000] =	vst v63  }
0x11: {  	s30 =	rddreg [dreg:$0x9];
	s31 =	simm.s32 $0x8000;
	s3 =	simm.s32 $0x0  }
0x12: {  	[tilespmem:s31], [sflag:$0x3] =	stream.linear.gather [hbm4b:s30+s0], $0x4000, $0x38;
	[tilespmem:$0x18000] =	vst v63  }
.LBB2_2:
0x13: {  	s0 =	sand.u32 $0x3, s3  }
0x14: {  	p0 =	sne.s32 s0, $0x0  }
.Ltmp0:
0x15: {  	s4 =	sand.u32 $0x1, s3;
	(pc) =	sbr.rel @p0 .LBB2_5-.Ltmp0, $4  }
0x16: {  	s1 =	sadd.s32 $0x1, s4  }
0x17: {  	_ =	swait.ge [sflag:s1], $0x4000  }
0x18: {  	s7 =	sshrl.u32 s3, $0x2;
	[dreg:$0x10] =	wrdreg s0;
	[sflag:s1] =	ssyncset.done $0x0  }
0x19: {  	s0 =	sand.u32 $0x1, s7;
	[dreg:$0xe] =	wrdreg s1;
	[sflag:s1] =	ssyncadd.s32 $0xFFFFC000  }
0x1a: {  	p0 =	sgt.u32 s3, $0x1B  }
.Ltmp1:
0x1b: {  	_ = 	snop;
	(pc) =	sbr.rel @p0 .LBB2_6-.Ltmp1, $4  }
0x1c: {  	s1 =	sadd.s32 $0x3, s0  }
0x1d: {  	_ =	swait.ge [sflag:s1], $0x4000  }
0x1e: {  	[sflag:s1] =	ssyncset.done $0x0  }
0x1f: {  	[sflag:s1] =	ssyncadd.s32 $0xFFFFC000  }
0x20: {  	s1 =	sadd.s32 $0x1, s7  }
0x21: {  	s2 =	rddreg [dreg:$0x9];
	s5 =	sand.u32 $0x1, s1  }
0x22: {  	s31 =	simm.s32 $0x0;
	s1 =	sshll.u32 s1, $0xB;
	s6 =	sshll.u32 s5, $0xE  }
0x23: {  	s5 =	sadd.s32 $0x3, s5;
	s1 =	sadd.s32 s1, s2;
	s6 =	sor.u32 $0x8000, s6  }
0x24: {  	[tilespmem:s6], [sflag:s5] =	stream.linear.gather [hbm4b:s1+s31], $0x4000, $0x38;
	[tilespmem:$0x18000] =	vst v63  }
.LBB2_5:
0x25: {  	p0 =	slt.u32 s3, $0x2  }
.Ltmp2:
0x26: {  	_ = 	snop;
	(pc) =	sbr.rel @p0 .LBB2_7-.Ltmp2, $1  }
0x27: {  	_ =	sdelay $0x3  }
.LBB2_6:
0x28: {  	s1 =	sadd.s32 $0x5, s4  }
0x29: {  	_ =	swait.ge [sflag:s1], $0x4000  }
0x2a: {  	[sflag:s1] =	ssyncset.done $0x0  }
0x2b: {  	[sflag:s1] =	ssyncadd.s32 $0xFFFFC000  }
.LBB2_7:
0x2c: {  	[dreg:$0x11] =	wrdreg s7  }
0x2d: {  	[dreg:$0xd] =	wrdreg s3;
	s0 =	sshll.u32 s0, $0xE  }
0x2e: {  	[dreg:$0xf] =	wrdreg s4;
	s2 =	sshll.u32 s4, $0xE;
	s21 =	simm.s32 $0x0  }
0x2f: {  	s22 =	simm.s32 $0x0;
	s1 =	sand.u32 $0x2000, s21;
	[dreg:$0x5] =	wrdreg s2  }
0x30: {  	s6 =	sand.u32 $0x1800, s22;
	s26 =	sor.u32 s2, s1;
	s2 =	sand.u32 $0x380, s22  }
0x31: {  	s0 =	sor.u32 $0x8000, s0;
	s10 =	sor.u32 $0x400, s6;
	s9 =	sor.u32 s26, s2  }
0x32: {  	[dreg:$0x4] =	wrdreg s0;
	s0 =	sor.u32 s6, s9;
	s23 =	sor.u32 s10, s9  }
0x33: {  	v0 =	vld [tilespmem:s0+$0x0];
	s9 =	sor.u32 $0x70, s23  }
0x34: {  	s5 =	rddreg [dreg:$0x4];
	s3 =	sor.u32 $0x10, s0;
	v1 =	vld [tilespmem:s9+$0x0]  }
0x35: {  	s1 =	sadd.s32 s1, s5;
	s4 =	sor.u32 $0x20, s0;
	v4 =	vld [tilespmem:s3+$0x0]  }
0x36: {  	s5 =	sadd.s32 s10, s1;
	s1 =	sadd.s32 s6, s1;
	s6 =	sor.u32 $0x30, s0;
	v6 =	vld [tilespmem:s4+$0x0]  }
0x37: {  	s7 =	sor.u32 $0x40, s0;
	v8 =	vld [tilespmem:s6+$0x0]  }
0x38: {  	s8 =	sor.u32 $0x50, s0;
	v10 =	vld [tilespmem:s7+$0x0]  }
0x39: {  	s10 =	sor.u32 $0x70, s0;
	v12 =	vld [tilespmem:s8+$0x0]  }
0x3a: {  	s24 =	sadd.s32 s2, s5;
	v16 =	vld [tilespmem:s10+$0x0]  }
0x3b: {  	s1 =	sadd.s32 s2, s1;
	v2 =	vld [tilespmem:s24+$0x70]  }
0x3c: {  	v3 =	vld [tilespmem:s1+$0x0]  }
0x3d: {  	v5 =	vld [tilespmem:s1+$0x10]  }
0x3e: {  	v7 =	vld [tilespmem:s1+$0x20]  }
0x3f: {  	v9 =	vld [tilespmem:s1+$0x30]  }
0x40: {  	v11 =	vld [tilespmem:s1+$0x40]  }
0x41: {  	s9 =	sor.u32 $0x60, s0;
	v13 =	vld [tilespmem:s1+$0x50]  }
0x42: {  	v14 =	vld [tilespmem:s9+$0x0]  }
0x43: {  	v15 =	vld [tilespmem:s1+$0x60];
	v1 =	vadd.f32 v2, v1  }
0x44: {  	s11 =	sor.u32 $0x10070, s23;
	v2 =	vadd.f32 v3, v0;
	v3 =	vld [tilespmem:s1+$0x70]  }
0x45: {  	s12 =	sor.u32 $0x10, s23;
	v0 =	vld [tilespmem:s24+$0x0];
	[tilespmem:s11+$0x0] =	vst v1;
	v1 =	vadd.f32 v5, v4  }
0x46: {  	s13 =	sor.u32 $0x10010, s0;
	[tilespmem:s0+$0x10000] =	vst v2;
	v2 =	vadd.f32 v7, v6;
	v6 =	vld [tilespmem:s12+$0x0]  }
0x47: {  	s14 =	sor.u32 $0x20, s23;
	s15 =	sor.u32 $0x10020, s0;
	v4 =	vadd.f32 v9, v8;
	v7 =	vld [tilespmem:s24+$0x10];
	[tilespmem:s13+$0x0] =	vst v1  }
0x48: {  	s16 =	sor.u32 $0x10030, s0;
	v5 =	vadd.f32 v13, v12;
	[tilespmem:s15+$0x0] =	vst v2;
	v1 =	vld [tilespmem:s14+$0x0]  }
0x49: {  	s17 =	sor.u32 $0x30, s23;
	s18 =	sor.u32 $0x40, s23;
	s20 =	sor.u32 $0x10050, s0;
	v8 =	vadd.f32 v15, v14;
	[tilespmem:s16+$0x0] =	vst v4;
	v4 =	vld [tilespmem:s24+$0x20]  }
0x4a: {  	s19 =	sor.u32 $0x10040, s0;
	s31 =	sor.u32 $0x50, s23;
	s25 =	sor.u32 $0x10060, s0;
	v2 =	vadd.f32 v11, v10;
	[tilespmem:s20+$0x0] =	vst v5;
	v5 =	vld [tilespmem:s24+$0x30]  }
0x4b: {  	s29 =	sor.u32 $0x60, s23;
	s26 =	sor.u32 $0x10070, s0;
	s30 =	sor.u32 $0x10040, s23;
	[tilespmem:s25+$0x0] =	vst v8;
	v63 =	vadd.f32 v3, v16;
	v3 =	vld [tilespmem:s18+$0x0]  }
0x4c: {  	s28 =	sor.u32 $0x10050, s23;
	s10 =	sor.u32 $0x10010, s23;
	s1 =	sor.u32 $0x10020, s23;
	[tilespmem:s19+$0x0] =	vst v2;
	v2 =	vld [tilespmem:s17+$0x0]  }
0x4d: {  	s0 =	sor.u32 $0x10030, s23;
	s25 =	simm.s32 $0x0;
	[tilespmem:s26+$0x0] =	vst v63;
	s26 =	sor.u32 $0x10060, s23;
	v7 =	vadd.f32 v7, v6;
	v6 =	vld [tilespmem:s24+$0x40]  }
.LBB2_8:
0x4e: {  	s21 =	sadd.s32 $0x100, s21;
	s22 =	sadd.s32 $0x20, s22;
	v8 =	vld [tilespmem:s23+$0x0]  }
0x4f: {  	s25 =	sadd.s32 $0x800, s25;
	s2 =	rddreg [dreg:$0x5];
	[tilespmem:s10+$0x0] =	vst v7;
	s5 =	sand.u32 $0x2000, s21;
	v7 =	vld [tilespmem:s24+$0x50];
	v1 =	vadd.f32 v4, v1  }
0x50: {  	s9 =	sand.u32 $0x1800, s25;
	s8 =	sand.u32 $0x380, s22;
	s7 =	sor.u32 s2, s5;
	v4 =	vld [tilespmem:s31+$0x0]  }
0x51: {  	s6 =	rddreg [dreg:$0x4];
	s14 =	sor.u32 $0x400, s9;
	s12 =	sor.u32 s7, s8;
	[tilespmem:s1+$0x0] =	vst v1;
	v1 =	vadd.f32 v5, v2;
	v2 =	vld [tilespmem:s29+$0x0]  }
0x52: {  	s5 =	sadd.s32 s5, s6;
	s13 =	sor.u32 s9, s12;
	s12 =	sor.u32 s14, s12;
	v5 =	vld [tilespmem:s24+$0x60]  }
0x53: {  	s16 =	sadd.s32 s14, s5;
	s17 =	sor.u32 $0x70, s12;
	[tilespmem:s0+$0x0] =	vst v1;
	v1 =	vadd.f32 v6, v3;
	v3 =	vld [tilespmem:s13+$0x0]  }
0x54: {  	s15 =	sadd.s32 s9, s5;
	s24 =	sadd.s32 s8, s16;
	v6 =	vld [tilespmem:s17+$0x0]  }
0x55: {  	s11 =	sadd.s32 s8, s15;
	v0 =	vadd.f32 v0, v8;
	[tilespmem:s30+$0x0] =	vst v1;
	v1 =	vadd.f32 v7, v4;
	v4 =	vld [tilespmem:s24+$0x70]  }
0x56: {  	v7 =	vld [tilespmem:s11+$0x0]  }
0x57: {  	s18 =	sor.u32 $0x10, s13;
	[tilespmem:s23+$0x10000] =	vst v0;
	v0 =	vld [tilespmem:s11+$0x20]  }
0x58: {  	[tilespmem:s28+$0x0] =	vst v1;
	v1 =	vadd.f32 v5, v2;
	v2 =	vld [tilespmem:s18+$0x0]  }
0x59: {  	s19 =	sor.u32 $0x20, s13;
	v5 =	vld [tilespmem:s11+$0x10]  }
0x5a: {  	s20 =	sor.u32 $0x30, s13;
	[tilespmem:s26+$0x0] =	vst v1;
	v1 =	vld [tilespmem:s19+$0x0]  }
0x5b: {  	v4 =	vadd.f32 v4, v6;
	v3 =	vadd.f32 v7, v3;
	v6 =	vld [tilespmem:s20+$0x0]  }
0x5c: {  	s2 =	sor.u32 $0x40, s13;
	v7 =	vld [tilespmem:s11+$0x30]  }
0x5d: {  	s26 =	sor.u32 $0x10070, s12;
	[tilespmem:s13+$0x10000] =	vst v3;
	v3 =	vld [tilespmem:s2+$0x0]  }
0x5e: {  	s4 =	sor.u32 $0x60, s13;
	[tilespmem:s26+$0x0] =	vst v4;
	v4 =	vld [tilespmem:s11+$0x40]  }
0x5f: {  	s3 =	sor.u32 $0x50, s13;
	v2 =	vadd.f32 v5, v2;
	v5 =	vld [tilespmem:s4+$0x0]  }
0x60: {  	s8 =	sor.u32 $0x10010, s13;
	v0 =	vadd.f32 v0, v1;
	v1 =	vld [tilespmem:s3+$0x0]  }
0x61: {  	s18 =	sor.u32 $0x10020, s13;
	[tilespmem:s8+$0x0] =	vst v2;
	v2 =	vld [tilespmem:s11+$0x50]  }
0x62: {  	s7 =	sor.u32 $0x10, s12;
	[tilespmem:s18+$0x0] =	vst v0;
	v0 =	vadd.f32 v7, v6;
	v6 =	vld [tilespmem:s11+$0x60]  }
0x63: {  	s14 =	sor.u32 $0x70, s13;
	s19 =	sor.u32 $0x10030, s13;
	v7 =	vld [tilespmem:s7+$0x0]  }
0x64: {  	[tilespmem:s19+$0x0] =	vst v0;
	v0 =	vadd.f32 v4, v3;
	v3 =	vld [tilespmem:s14+$0x0]  }
0x65: {  	s17 =	sor.u32 $0x10040, s13;
	v4 =	vld [tilespmem:s11+$0x70]  }
0x66: {  	v1 =	vadd.f32 v2, v1;
	[tilespmem:s17+$0x0] =	vst v0;
	v0 =	vld [tilespmem:s24+$0x0]  }
0x67: {  	s5 =	sor.u32 $0x20, s12;
	s16 =	sor.u32 $0x10050, s13;
	v2 =	vadd.f32 v6, v5;
	v6 =	vld [tilespmem:s24+$0x10]  }
0x68: {  	p0 =	slt.u32 s21, $0x3F00;
	[tilespmem:s16+$0x0] =	vst v1;
	v1 =	vld [tilespmem:s5+$0x0]  }
.Ltmp3:
0x69: {  	s9 =	sor.u32 $0x30, s12;
	v5 =	vld [tilespmem:s24+$0x30];
	(pc) =	sbr.rel @p0 .LBB2_8-.Ltmp3, $4  }
0x6a: {  	s6 =	sor.u32 $0x40, s12;
	s31 =	sor.u32 $0x50, s12;
	s15 =	sor.u32 $0x10060, s13;
	v3 =	vadd.f32 v4, v3;
	v4 =	vld [tilespmem:s24+$0x20]  }
0x6b: {  	s10 =	sor.u32 $0x10010, s12;
	s29 =	sor.u32 $0x60, s12;
	s20 =	sor.u32 $0x10070, s13;
	[tilespmem:s15+$0x0] =	vst v2;
	v2 =	vld [tilespmem:s9+$0x0]  }
0x6c: {  	s1 =	sor.u32 $0x10020, s12;
	s23 =	smov.u32 s12;
	s0 =	sor.u32 $0x10030, s12;
	[tilespmem:s20+$0x0] =	vst v3;
	v3 =	vld [tilespmem:s6+$0x0]  }
0x6d: {  	s30 =	sor.u32 $0x10040, s12;
	s28 =	sor.u32 $0x10050, s12;
	s26 =	sor.u32 $0x10060, s12;
	v7 =	vadd.f32 v6, v7;
	v6 =	vld [tilespmem:s24+$0x40]  }
0x6e: {  	v8 =	vld [tilespmem:s31+$0x0]  }
0x6f: {  	v9 =	vld [tilespmem:s24+$0x50]  }
0x70: {  	v10 =	vld [tilespmem:s29+$0x0]  }
0x71: {  	v11 =	vld [tilespmem:s24+$0x60]  }
0x72: {  	v1 =	vadd.f32 v4, v1  }
0x73: {  	v60 =	vld [tilespmem:s23+$0x0];
	[tilespmem:s10+$0x0] =	vst v7;
	v2 =	vadd.f32 v5, v2  }
0x74: {  	[tilespmem:s1+$0x0] =	vst v1;
	v61 =	vadd.f32 v6, v3  }
0x75: {  	[tilespmem:s0+$0x0] =	vst v2;
	v62 =	vadd.f32 v9, v8  }
0x76: {  	v63 =	vadd.f32 v11, v10;
	[tilespmem:s30+$0x0] =	vst v61  }
0x77: {  	[tilespmem:s28+$0x0] =	vst v62  }
0x78: {  	v0 =	vadd.f32 v0, v60;
	s0 =	rddreg [dreg:$0x11];
	[tilespmem:s26+$0x0] =	vst v63  }
0x79: {  	s1 =	rddreg [dreg:$0x10]  }
0x7a: {  	s2 =	rddreg [dreg:$0xa];
	[tilespmem:s23+$0x10000] =	vst v0  }
0x7b: {  	s31 =	simm.s32 $0x0;
	s0 =	sshll.u32 s0, $0xB;
	s4 =	rddreg [dreg:$0x5]  }
0x7c: {  	s1 =	sshll.u32 s1, $0x13;
	s0 =	sadd.s32 s0, s2;
	s3 =	rddreg [dreg:$0xf]  }
0x7d: {  	s30 =	sor.u32 $0x10000, s4;
	s3 =	sadd.s32 $0x5, s3;
	s0 =	sadd.s32 s1, s0  }
0x7e: {  	[hbm4b:s0+s31] =	stream.linear.scatter [tilespmem:s30], [sflag:s3], $0x4000, $0x38;
	[tilespmem:$0x18000] =	vst v63  }
0x7f: {  	s3 =	rddreg [dreg:$0xd]  }
0x80: {  	p0 =	sgt.u32 s3, $0x1D  }
0x81: {  	s0 =	sadd.s32 @!p0 $0x2, s3  }
0x82: {  	s1 =	sshll.u32 @!p0 s0, $0xC  }
0x83: {  	s2 =	rddreg [dreg:$0x6];
	s0 =	sshll.u32 @!p0 s0, $0x2;
	s1 =	sand.u32 @!p0 $0x3000, s1  }
0x84: {  	s0 =	sand.u32 @!p0 $0xF0, s0;
	s1 =	sor.u32 @!p0 s2, s1  }
0x85: {  	s0 =	sadd.s32 @!p0 s0, s1  }
0x86: {  	s3 =	sadd.s32 $0x1, s3;
	s1 =	rddreg [dreg:$0x0];
	s0 =	sshll.u32 @!p0 s0, $0x7  }
0x87: {  	s2 =	rddreg [dreg:$0xe];
	s0 =	sadd.s32 @!p0 s1, s0;
	s1 =	simm.s32 @!p0 $0x0  }
0x88: {  	[tilespmem:s4], [sflag:s2] =	stream.linear.gather @!p0 [hbm4b:s0+s1], $0x4000, $0x38;
	[tilespmem:$0x18000] =	vst v63  }
0x89: {  	p0 =	sne.s32 s3, $0x20  }
.Ltmp4:
0x8a: {  	_ = 	snop;
	(pc) =	sbr.rel @p0 .LBB2_2-.Ltmp4, $1  }
0x8b: {  	_ =	sdelay $0x3  }
0x8c: {  	s0 =	simm.s32 $0x5  }
0x8d: {  	_ =	swait.ge [sflag:s0], $0x4000  }
0x8e: {  	[sflag:s0] =	ssyncset.done $0x0  }
0x8f: {  	s1 =	simm.s32 $0x6;
	[sflag:s0] =	ssyncadd.s32 $0xFFFFC000  }
0x90: {  	_ =	swait.ge [sflag:s1], $0x4000  }
0x91: {  	s2 =	rddreg [dreg:$0xc]  }
0x92: {  	s31 =	rddreg [dreg:$0xb];
	s2 =	sadd.s32 $0x1, s2  }
0x93: {  	p0 =	sne.s32 s2, s31  }
.Ltmp5:
0x94: {  	_ = 	snop;
	(pc) =	sbr.rel @p0 .LBB2_1-.Ltmp5, $3  }
0x95: {  	_ =	sdelay $0x1  }
0x96: {  	[sflag:s1] =	ssyncset.done $0x0  }
0x97: {  	[sflag:s1] =	ssyncadd.s32 $0xFFFFC000  }
0x98: {  	_ =	sfence.sel $0x180000  }
0x99: {  	[bflag:$0x0] =	sbarrier.arrive $0xFFFF  }
0x9a: {  	_ =	strace $0x90000047  }
0x9b: {  	s0 =	stileid.u32;
	[bflag:$0x2] =	sbarrier.arrive $0xFFFF  }
0x9c: {  	p0 =	sne.s32 s0, $0x0;
	s0 =	rddreg [dreg:$0x3]  }
0x9d: {  	s0 =	sadd.s32 @!p0 $0x100000, s0  }
0x9e: {  	[sflag:s0] =	ssyncadd.tile.s32 @!p0 $0x1;
	_ =	shalt  }
.Lfunc_end2:
_tile_overlayer_lowered:
.L_overlay_start_2:
0x9f: {  	(tag) =	ssettag $0x2  }
0xa0: {  	s0 =	rddreg [dreg:$0x0];
	s2 =	stileid.u32  }
0xa1: {  	s1 =	rddreg [dreg:$0x1];
	p0 =	sne.s32 s2, $0x0  }
0xa2: {  	s3 =	rddreg [dreg:$0x2];
	[bflag:$0x3] =	sbarrier.arrive $0xFFFF;
	s2 =	simm.s32 @!p0 $0x1C07  }
0xa3: {  	[timem:s3], [sflag:s2] =	dma.local @!p0 [hbm:s0], s1  }
0xa4: {  	s0 =	simm.s32 @!p0 $0x7  }
0xa5: {  	_ =	swait.ge @!p0 [sflag:s0], s1  }
0xa6: {  	s1 =	ssub.s32 @!p0 $0x0, s1;
	[sflag:s0] =	ssyncset.done @!p0 $0x0  }
0xa7: {  	[sflag:s0] =	ssyncadd.s32 @!p0 s1  }
0xa8: {  	[bflag:$0x3] =	sbarrier.arrive $0xFFFF  }
0xa9: {  	_ =	shalt  }

</sc_bundles>
